<compile_context>
chip_gen: v7x
topology: tpu7x:2x2x1
jax: 0.10.2.dev20260603
libtpu: 0.0.44.dev20260713+nightly
codegen_flags: <defaults>
</compile_context>

<pallas_src>
import functools

import jax
import jax.numpy as jnp
from jax import lax
from jax.experimental import pallas as pl
from jax.experimental.pallas import tpu as pltpu
from jax.experimental.pallas import tpu_sc as plsc

D = 32
K = 8192
BT = 256


NU = 8


def _argmin_body(z_ref, c_ref, cn_ref, idx_ref, *bufs):
    p_bufs, zn_bufs = bufs[:NU], bufs[NU:]
    c = c_ref[...]
    cn = cn_ref[...]

    def mm(j):
        z = z_ref[pl.ds(j * BT, BT), :]
        zn_bufs[j][...] = jnp.sum(z * z, axis=1, keepdims=True)
        p_bufs[j][...] = lax.dot_general(
            -2.0 * z, c, (((1,), (1,)), ((), ())),
            preferred_element_type=jnp.float32)

    def am(j):
        scores = (zn_bufs[j][...] + cn) + p_bufs[j][...]
        idx_ref[0, j, :] = jnp.argmin(scores, axis=-1).astype(jnp.int32)

    mm(0)
    for j in range(1, NU):
        mm(j)
        am(j - 1)
    am(NU - 1)


def _tc_argmin(zflat, codebook):
    t = zflat.shape[0]
    nb = t // (BT * NU)
    cn = jnp.sum(codebook ** 2, axis=1).reshape(1, K)
    out = pl.pallas_call(
        _argmin_body,
        grid=(nb,),
        in_specs=[
            pl.BlockSpec((BT * NU, D), lambda i: (i, 0)),
            pl.BlockSpec((K, D), lambda i: (0, 0)),
            pl.BlockSpec((1, K), lambda i: (0, 0)),
        ],
        out_specs=pl.BlockSpec((1, NU, BT), lambda i: (i, 0, 0)),
        out_shape=jax.ShapeDtypeStruct((nb, NU, BT), jnp.int32),
        scratch_shapes=(
            [pltpu.VMEM((BT, K), jnp.float32) for _ in range(NU)]
            + [pltpu.VMEM((BT, 1), jnp.float32) for _ in range(NU)]
        ),
    )(zflat, codebook, cn)
    return out.reshape(t)


DPAD = 128


@functools.lru_cache(maxsize=None)
def _make_sc_gather(t):
    info = plsc.get_sparse_core_info()
    nc, ns = info.num_cores, info.num_subcores
    nw = nc * ns
    bpw = t // nw

    @functools.partial(
        pl.kernel,
        mesh=plsc.VectorSubcoreMesh(core_axis_name="c", subcore_axis_name="s"),
        out_type=jax.ShapeDtypeStruct((t, D), jnp.float32),
        scratch_types=[
            pltpu.VMEM((2, bpw // 2), jnp.int32),
            pltpu.VMEM((2, bpw // 2, D), jnp.float32),
            pltpu.SemaphoreType.DMA,
            pltpu.SemaphoreType.DMA,
        ],
        compiler_params=pltpu.CompilerParams(use_tc_tiling_on_sc=False),
    )
    def gather(cb_hbm, idx_hbm, out_hbm, idx_v, rows_v, sem0, sem1):
        wid = lax.axis_index("s") * nc + lax.axis_index("c")
        half = bpw // 2
        base = wid * bpw
        sems = (sem0, sem1)
        for j in range(2):
            pltpu.sync_copy(idx_hbm.at[pl.ds(base + j * half, half)],
                            idx_v.at[j])
        copies = [
            pltpu.async_copy(cb_hbm.at[idx_v.at[j]], rows_v.at[j], sems[j])
            for j in range(2)
        ]
        for j in range(2):
            copies[j].wait()
            pltpu.sync_copy(rows_v.at[j],
                            out_hbm.at[pl.ds(base + j * half, half)])

    return gather


def kernel(ze, codebook):
    b, s, d = ze.shape
    t = b * s
    zflat = ze.reshape(t, d)
    idx = _tc_argmin(zflat, codebook)
    zq = _make_sc_gather(t)(codebook, idx)
    return zq.reshape(b, s, d)

# --- scband reference (transcript-rebuilt; emitter-appended) ---
"""Pipeline reference for scband-quantizer-12575664243240 (READ-ONLY COPY).

The authoritative reference and input builder live on the scoring server;
editing this copy changes nothing except your own understanding.
"""

import jax, jax.numpy as jnp
import numpy as np


def setup_inputs(seed: int = 0) -> dict:
    key = jax.random.key(seed)
    k1, k2 = jax.random.split(key)
    ze = jax.random.normal(k1, (16, 1024, 32), dtype=jnp.float32)
    codebook = jax.random.normal(k2, (8192, 32), dtype=jnp.float32)
    return {"ze": ze, "codebook": codebook}


def reference(ze, codebook):
    # latent_distribution == 'Uniform', shape == 'global' -> _return_code(ze)
    # sq_norm[b, t, k] = ||ze[b,t]||^2 + ||codebook[k]||^2 - 2 <ze[b,t], codebook[k]>
    sq_norm = (
        jnp.sum(ze ** 2, axis=-1, keepdims=True)
        + jnp.sum(codebook ** 2, axis=1)
        - 2.0 * jnp.matmul(ze, codebook.T)
    )
    argmin = jnp.argmin(sq_norm, axis=-1)
    zq = jnp.take(codebook, argmin.reshape(-1), axis=0).reshape(ze.shape)
    return zq

if __name__ == "__main__":
    import jax
    _d = setup_inputs()
    print(jax.jit(kernel)(*tuple(_d.values())))

</pallas_src>

<mosaic_0001>
#map = affine_map<(d0, d1) -> (0, 0)>
#map1 = affine_map<(d0, d1) -> (0)>
module attributes {stable_mosaic.version = 14 : i64} {
  func.func @gather(%arg0: i32, %arg1: i32, %arg2: memref<8192x32xf32, #tpu.memory_space<hbm>>, %arg3: memref<16384xi32, #tpu.memory_space<hbm>>, %arg4: memref<16384x32xf32, #tpu.memory_space<hbm>>, %arg5: memref<2x256xi32, #tpu.memory_space<vmem>>, %arg6: memref<2x256x32xf32, #tpu.memory_space<vmem>>, %arg7: memref<!tpu.dma_semaphore, #tpu.memory_space<semaphore_mem>>, %arg8: memref<!tpu.dma_semaphore, #tpu.memory_space<semaphore_mem>>) attributes {dimension_semantics = [#tpu.dimension_semantics<core_parallel>, #tpu.dimension_semantics<subcore_parallel>], iteration_bounds = array<i64: 2, 16>, scalar_prefetch = 0 : i64, scratch_operands = 4 : i64, tpu.core_type = #tpu.core_type<sc_vector_subcore>, window_params = [{transform_indices = #map}, {transform_indices = #map1}, {transform_indices = #map}]} {
    %mul3A = arith.constant 2 : i32
    %mul3A_0 = arith.muli %arg1, %mul3A : i32
    %add3A = arith.addi %mul3A_0, %arg0 : i32
    %mul3A_1 = arith.constant 512 : i32
    %mul3A_2 = arith.muli %add3A, %mul3A_1 : i32
    %add3A_3 = arith.constant 0 : i32
    %add3A_4 = arith.addi %mul3A_2, %add3A_3 : i32
    %run_scoped3A = arith.constant 0 : i32
    "tpu.region"() ({
      %run_scoped3A_60 = tpu.sem_alloc : memref<!tpu.dma_semaphore, #tpu.memory_space<semaphore_mem>>
      %dma_start3A_61 = arith.constant 0 : i32
      %dma_start3A_62 = tpu.memref_slice %arg5[%run_scoped3A, %dma_start3A_61] : memref<2x256xi32, #tpu.memory_space<vmem>> -> memref<1x256xi32, #tpu.memory_space<vmem>>
      %dma_start3A_63 = tpu.memref_squeeze %dma_start3A_62 : memref<1x256xi32, #tpu.memory_space<vmem>> -> memref<256xi32, #tpu.memory_space<vmem>>
      %dma_start3A_64 = tpu.memref_slice %arg3[%add3A_4] : memref<16384xi32, #tpu.memory_space<hbm>> -> memref<256xi32, #tpu.memory_space<hbm>>
      %dma_start3A_65 = arith.constant 0 : i32
      %dma_start3A_66 = tpu.memref_slice %arg5[%run_scoped3A, %dma_start3A_65] : memref<2x256xi32, #tpu.memory_space<vmem>> -> memref<1x256xi32, #tpu.memory_space<vmem>>
      %dma_start3A_67 = tpu.memref_squeeze %dma_start3A_66 : memref<1x256xi32, #tpu.memory_space<vmem>> -> memref<256xi32, #tpu.memory_space<vmem>>
      %dma_start3A_68 = tpu.memref_slice %arg3[%add3A_4] : memref<16384xi32, #tpu.memory_space<hbm>> -> memref<256xi32, #tpu.memory_space<hbm>>
      tpu.enqueue_dma source(%dma_start3A_68 : memref<256xi32, #tpu.memory_space<hbm>>) target(%dma_start3A_67 : memref<256xi32, #tpu.memory_space<vmem>>) target_semaphore(%run_scoped3A_60 : memref<!tpu.dma_semaphore, #tpu.memory_space<semaphore_mem>>)
      %dma_wait3A_69 = arith.constant 0 : i32
      %dma_wait3A_70 = tpu.memref_slice %arg5[%run_scoped3A, %dma_wait3A_69] : memref<2x256xi32, #tpu.memory_space<vmem>> -> memref<1x256xi32, #tpu.memory_space<vmem>>
      %dma_wait3A_71 = tpu.memref_squeeze %dma_wait3A_70 : memref<1x256xi32, #tpu.memory_space<vmem>> -> memref<256xi32, #tpu.memory_space<vmem>>
      %dma_wait3A_72 = tpu.memref_slice %arg3[%add3A_4] : memref<16384xi32, #tpu.memory_space<hbm>> -> memref<256xi32, #tpu.memory_space<hbm>>
      %dma_wait3A_73 = arith.constant 0 : i32
      %dma_wait3A_74 = tpu.memref_slice %arg5[%run_scoped3A, %dma_wait3A_73] : memref<2x256xi32, #tpu.memory_space<vmem>> -> memref<1x256xi32, #tpu.memory_space<vmem>>
      %dma_wait3A_75 = tpu.memref_squeeze %dma_wait3A_74 : memref<1x256xi32, #tpu.memory_space<vmem>> -> memref<256xi32, #tpu.memory_space<vmem>>
      %dma_wait3A_76 = tpu.memref_slice %arg3[%add3A_4] : memref<16384xi32, #tpu.memory_space<hbm>> -> memref<256xi32, #tpu.memory_space<hbm>>
      tpu.wait_dma2 semaphore(%run_scoped3A_60 : memref<!tpu.dma_semaphore, #tpu.memory_space<semaphore_mem>>) src(%dma_wait3A_76 : memref<256xi32, #tpu.memory_space<hbm>>) dst(%dma_wait3A_75 : memref<256xi32, #tpu.memory_space<vmem>>)
      tpu.yield
    }) : () -> ()
    %add3A_5 = arith.constant 256 : i32
    %add3A_6 = arith.addi %mul3A_2, %add3A_5 : i32
    %run_scoped3A_7 = arith.constant 1 : i32
    "tpu.region"() ({
      %run_scoped3A_60 = tpu.sem_alloc : memref<!tpu.dma_semaphore, #tpu.memory_space<semaphore_mem>>
      %dma_start3A_61 = arith.constant 0 : i32
      %dma_start3A_62 = tpu.memref_slice %arg5[%run_scoped3A_7, %dma_start3A_61] : memref<2x256xi32, #tpu.memory_space<vmem>> -> memref<1x256xi32, #tpu.memory_space<vmem>>
      %dma_start3A_63 = tpu.memref_squeeze %dma_start3A_62 : memref<1x256xi32, #tpu.memory_space<vmem>> -> memref<256xi32, #tpu.memory_space<vmem>>
      %dma_start3A_64 = tpu.memref_slice %arg3[%add3A_6] : memref<16384xi32, #tpu.memory_space<hbm>> -> memref<256xi32, #tpu.memory_space<hbm>>
      %dma_start3A_65 = arith.constant 0 : i32
      %dma_start3A_66 = tpu.memref_slice %arg5[%run_scoped3A_7, %dma_start3A_65] : memref<2x256xi32, #tpu.memory_space<vmem>> -> memref<1x256xi32, #tpu.memory_space<vmem>>
      %dma_start3A_67 = tpu.memref_squeeze %dma_start3A_66 : memref<1x256xi32, #tpu.memory_space<vmem>> -> memref<256xi32, #tpu.memory_space<vmem>>
      %dma_start3A_68 = tpu.memref_slice %arg3[%add3A_6] : memref<16384xi32, #tpu.memory_space<hbm>> -> memref<256xi32, #tpu.memory_space<hbm>>
      tpu.enqueue_dma source(%dma_start3A_68 : memref<256xi32, #tpu.memory_space<hbm>>) target(%dma_start3A_67 : memref<256xi32, #tpu.memory_space<vmem>>) target_semaphore(%run_scoped3A_60 : memref<!tpu.dma_semaphore, #tpu.memory_space<semaphore_mem>>)
      %dma_wait3A_69 = arith.constant 0 : i32
      %dma_wait3A_70 = tpu.memref_slice %arg5[%run_scoped3A_7, %dma_wait3A_69] : memref<2x256xi32, #tpu.memory_space<vmem>> -> memref<1x256xi32, #tpu.memory_space<vmem>>
      %dma_wait3A_71 = tpu.memref_squeeze %dma_wait3A_70 : memref<1x256xi32, #tpu.memory_space<vmem>> -> memref<256xi32, #tpu.memory_space<vmem>>
      %dma_wait3A_72 = tpu.memref_slice %arg3[%add3A_6] : memref<16384xi32, #tpu.memory_space<hbm>> -> memref<256xi32, #tpu.memory_space<hbm>>
      %dma_wait3A_73 = arith.constant 0 : i32
      %dma_wait3A_74 = tpu.memref_slice %arg5[%run_scoped3A_7, %dma_wait3A_73] : memref<2x256xi32, #tpu.memory_space<vmem>> -> memref<1x256xi32, #tpu.memory_space<vmem>>
      %dma_wait3A_75 = tpu.memref_squeeze %dma_wait3A_74 : memref<1x256xi32, #tpu.memory_space<vmem>> -> memref<256xi32, #tpu.memory_space<vmem>>
      %dma_wait3A_76 = tpu.memref_slice %arg3[%add3A_6] : memref<16384xi32, #tpu.memory_space<hbm>> -> memref<256xi32, #tpu.memory_space<hbm>>
      tpu.wait_dma2 semaphore(%run_scoped3A_60 : memref<!tpu.dma_semaphore, #tpu.memory_space<semaphore_mem>>) src(%dma_wait3A_76 : memref<256xi32, #tpu.memory_space<hbm>>) dst(%dma_wait3A_75 : memref<256xi32, #tpu.memory_space<vmem>>)
      tpu.yield
    }) : () -> ()
    %dma_start3A = arith.constant 0 : i32
    %dma_start3A_8 = arith.constant 0 : i32
    %dma_start3A_9 = arith.constant 0 : i32
    %dma_start3A_10 = arith.constant 0 : i32
    %dma_start3A_11 = tpu.memref_slice %arg6[%dma_start3A_8, %dma_start3A_9, %dma_start3A_10] : memref<2x256x32xf32, #tpu.memory_space<vmem>> -> memref<1x256x32xf32, #tpu.memory_space<vmem>>
    %dma_start3A_12 = tpu.memref_squeeze %dma_start3A_11 : memref<1x256x32xf32, #tpu.memory_space<vmem>> -> memref<256x32xf32, #tpu.memory_space<vmem>>
    %dma_start3A_13 = arith.constant 0 : i32
    %dma_start3A_14 = tpu.memref_slice %arg5[%dma_start3A, %dma_start3A_13] : memref<2x256xi32, #tpu.memory_space<vmem>> -> memref<1x256xi32, #tpu.memory_space<vmem>>
    %dma_start3A_15 = tpu.memref_squeeze %dma_start3A_14 : memref<1x256xi32, #tpu.memory_space<vmem>> -> memref<256xi32, #tpu.memory_space<vmem>>
    %dma_start3A_16 = arith.constant 0 : i32
    %dma_start3A_17 = arith.constant 0 : i32
    %dma_start3A_18 = tpu.memref_slice %arg2[%dma_start3A_16, %dma_start3A_17] : memref<8192x32xf32, #tpu.memory_space<hbm>> -> memref<8192x32xf32, #tpu.memory_space<hbm>>
    tpu.enqueue_indirect_dma source(%dma_start3A_18 : memref<8192x32xf32, #tpu.memory_space<hbm>>) target(%dma_start3A_12 : memref<256x32xf32, #tpu.memory_space<vmem>>) offsets(%dma_start3A_15 : memref<256xi32, #tpu.memory_space<vmem>>) semaphore(%arg7 : memref<!tpu.dma_semaphore, #tpu.memory_space<semaphore_mem>>)
    %dma_start3A_19 = arith.constant 1 : i32
    %dma_start3A_20 = arith.constant 1 : i32
    %dma_start3A_21 = arith.constant 0 : i32
    %dma_start3A_22 = arith.constant 0 : i32
    %dma_start3A_23 = tpu.memref_slice %arg6[%dma_start3A_20, %dma_start3A_21, %dma_start3A_22] : memref<2x256x32xf32, #tpu.memory_space<vmem>> -> memref<1x256x32xf32, #tpu.memory_space<vmem>>
    %dma_start3A_24 = tpu.memref_squeeze %dma_start3A_23 : memref<1x256x32xf32, #tpu.memory_space<vmem>> -> memref<256x32xf32, #tpu.memory_space<vmem>>
    %dma_start3A_25 = arith.constant 0 : i32
    %dma_start3A_26 = tpu.memref_slice %arg5[%dma_start3A_19, %dma_start3A_25] : memref<2x256xi32, #tpu.memory_space<vmem>> -> memref<1x256xi32, #tpu.memory_space<vmem>>
    %dma_start3A_27 = tpu.memref_squeeze %dma_start3A_26 : memref<1x256xi32, #tpu.memory_space<vmem>> -> memref<256xi32, #tpu.memory_space<vmem>>
    %dma_start3A_28 = arith.constant 0 : i32
    %dma_start3A_29 = arith.constant 0 : i32
    %dma_start3A_30 = tpu.memref_slice %arg2[%dma_start3A_28, %dma_start3A_29] : memref<8192x32xf32, #tpu.memory_space<hbm>> -> memref<8192x32xf32, #tpu.memory_space<hbm>>
    tpu.enqueue_indirect_dma source(%dma_start3A_30 : memref<8192x32xf32, #tpu.memory_space<hbm>>) target(%dma_start3A_24 : memref<256x32xf32, #tpu.memory_space<vmem>>) offsets(%dma_start3A_27 : memref<256xi32, #tpu.memory_space<vmem>>) semaphore(%arg8 : memref<!tpu.dma_semaphore, #tpu.memory_space<semaphore_mem>>)
    %dma_wait3A = arith.constant 0 : i32
    %dma_wait3A_31 = arith.constant 0 : i32
    %dma_wait3A_32 = arith.constant 0 : i32
    %dma_wait3A_33 = arith.constant 0 : i32
    %dma_wait3A_34 = tpu.memref_slice %arg6[%dma_wait3A_31, %dma_wait3A_32, %dma_wait3A_33] : memref<2x256x32xf32, #tpu.memory_space<vmem>> -> memref<1x256x32xf32, #tpu.memory_space<vmem>>
    %dma_wait3A_35 = tpu.memref_squeeze %dma_wait3A_34 : memref<1x256x32xf32, #tpu.memory_space<vmem>> -> memref<256x32xf32, #tpu.memory_space<vmem>>
    %dma_wait3A_36 = arith.constant 0 : i32
    %dma_wait3A_37 = tpu.memref_slice %arg5[%dma_wait3A, %dma_wait3A_36] : memref<2x256xi32, #tpu.memory_space<vmem>> -> memref<1x256xi32, #tpu.memory_space<vmem>>
    %dma_wait3A_38 = tpu.memref_squeeze %dma_wait3A_37 : memref<1x256xi32, #tpu.memory_space<vmem>> -> memref<256xi32, #tpu.memory_space<vmem>>
    %dma_wait3A_39 = arith.constant 0 : i32
    %dma_wait3A_40 = arith.constant 0 : i32
    %dma_wait3A_41 = tpu.memref_slice %arg2[%dma_wait3A_39, %dma_wait3A_40] : memref<8192x32xf32, #tpu.memory_space<hbm>> -> memref<8192x32xf32, #tpu.memory_space<hbm>>
    tpu.wait_indirect_dma semaphore(%arg7 : memref<!tpu.dma_semaphore, #tpu.memory_space<semaphore_mem>>) src(%dma_wait3A_41 : memref<8192x32xf32, #tpu.memory_space<hbm>>) dst(%dma_wait3A_35 : memref<256x32xf32, #tpu.memory_space<vmem>>)
    %add3A_42 = arith.constant 0 : i32
    %add3A_43 = arith.addi %mul3A_2, %add3A_42 : i32
    %run_scoped3A_44 = arith.constant 0 : i32
    "tpu.region"() ({
      %run_scoped3A_60 = tpu.sem_alloc : memref<!tpu.dma_semaphore, #tpu.memory_space<semaphore_mem>>
      %dma_start3A_61 = arith.constant 0 : i32
      %dma_start3A_62 = arith.constant 0 : i32
      %dma_start3A_63 = tpu.memref_slice %arg6[%run_scoped3A_44, %dma_start3A_61, %dma_start3A_62] : memref<2x256x32xf32, #tpu.memory_space<vmem>> -> memref<1x256x32xf32, #tpu.memory_space<vmem>>
      %dma_start3A_64 = tpu.memref_squeeze %dma_start3A_63 : memref<1x256x32xf32, #tpu.memory_space<vmem>> -> memref<256x32xf32, #tpu.memory_space<vmem>>
      %dma_start3A_65 = arith.constant 0 : i32
      %dma_start3A_66 = tpu.memref_slice %arg4[%add3A_43, %dma_start3A_65] : memref<16384x32xf32, #tpu.memory_space<hbm>> -> memref<256x32xf32, #tpu.memory_space<hbm>>
      %dma_start3A_67 = arith.constant 0 : i32
      %dma_start3A_68 = tpu.memref_slice %arg4[%add3A_43, %dma_start3A_67] : memref<16384x32xf32, #tpu.memory_space<hbm>> -> memref<256x32xf32, #tpu.memory_space<hbm>>
      %dma_start3A_69 = arith.constant 0 : i32
      %dma_start3A_70 = arith.constant 0 : i32
      %dma_start3A_71 = tpu.memref_slice %arg6[%run_scoped3A_44, %dma_start3A_69, %dma_start3A_70] : memref<2x256x32xf32, #tpu.memory_space<vmem>> -> memref<1x256x32xf32, #tpu.memory_space<vmem>>
      %dma_start3A_72 = tpu.memref_squeeze %dma_start3A_71 : memref<1x256x32xf32, #tpu.memory_space<vmem>> -> memref<256x32xf32, #tpu.memory_space<vmem>>
      tpu.enqueue_dma source(%dma_start3A_72 : memref<256x32xf32, #tpu.memory_space<vmem>>) target(%dma_start3A_68 : memref<256x32xf32, #tpu.memory_space<hbm>>) target_semaphore(%run_scoped3A_60 : memref<!tpu.dma_semaphore, #tpu.memory_space<semaphore_mem>>)
      %dma_wait3A_73 = arith.constant 0 : i32
      %dma_wait3A_74 = arith.constant 0 : i32
      %dma_wait3A_75 = tpu.memref_slice %arg6[%run_scoped3A_44, %dma_wait3A_73, %dma_wait3A_74] : memref<2x256x32xf32, #tpu.memory_space<vmem>> -> memref<1x256x32xf32, #tpu.memory_space<vmem>>
      %dma_wait3A_76 = tpu.memref_squeeze %dma_wait3A_75 : memref<1x256x32xf32, #tpu.memory_space<vmem>> -> memref<256x32xf32, #tpu.memory_space<vmem>>
      %dma_wait3A_77 = arith.constant 0 : i32
      %dma_wait3A_78 = tpu.memref_slice %arg4[%add3A_43, %dma_wait3A_77] : memref<16384x32xf32, #tpu.memory_space<hbm>> -> memref<256x32xf32, #tpu.memory_space<hbm>>
      %dma_wait3A_79 = arith.constant 0 : i32
      %dma_wait3A_80 = tpu.memref_slice %arg4[%add3A_43, %dma_wait3A_79] : memref<16384x32xf32, #tpu.memory_space<hbm>> -> memref<256x32xf32, #tpu.memory_space<hbm>>
      %dma_wait3A_81 = arith.constant 0 : i32
      %dma_wait3A_82 = arith.constant 0 : i32
      %dma_wait3A_83 = tpu.memref_slice %arg6[%run_scoped3A_44, %dma_wait3A_81, %dma_wait3A_82] : memref<2x256x32xf32, #tpu.memory_space<vmem>> -> memref<1x256x32xf32, #tpu.memory_space<vmem>>
      %dma_wait3A_84 = tpu.memref_squeeze %dma_wait3A_83 : memref<1x256x32xf32, #tpu.memory_space<vmem>> -> memref<256x32xf32, #tpu.memory_space<vmem>>
      tpu.wait_dma2 semaphore(%run_scoped3A_60 : memref<!tpu.dma_semaphore, #tpu.memory_space<semaphore_mem>>) src(%dma_wait3A_84 : memref<256x32xf32, #tpu.memory_space<vmem>>) dst(%dma_wait3A_80 : memref<256x32xf32, #tpu.memory_space<hbm>>)
      tpu.yield
    }) : () -> ()
    %dma_wait3A_45 = arith.constant 1 : i32
    %dma_wait3A_46 = arith.constant 1 : i32
    %dma_wait3A_47 = arith.constant 0 : i32
    %dma_wait3A_48 = arith.constant 0 : i32
    %dma_wait3A_49 = tpu.memref_slice %arg6[%dma_wait3A_46, %dma_wait3A_47, %dma_wait3A_48] : memref<2x256x32xf32, #tpu.memory_space<vmem>> -> memref<1x256x32xf32, #tpu.memory_space<vmem>>
    %dma_wait3A_50 = tpu.memref_squeeze %dma_wait3A_49 : memref<1x256x32xf32, #tpu.memory_space<vmem>> -> memref<256x32xf32, #tpu.memory_space<vmem>>
    %dma_wait3A_51 = arith.constant 0 : i32
    %dma_wait3A_52 = tpu.memref_slice %arg5[%dma_wait3A_45, %dma_wait3A_51] : memref<2x256xi32, #tpu.memory_space<vmem>> -> memref<1x256xi32, #tpu.memory_space<vmem>>
    %dma_wait3A_53 = tpu.memref_squeeze %dma_wait3A_52 : memref<1x256xi32, #tpu.memory_space<vmem>> -> memref<256xi32, #tpu.memory_space<vmem>>
    %dma_wait3A_54 = arith.constant 0 : i32
    %dma_wait3A_55 = arith.constant 0 : i32
    %dma_wait3A_56 = tpu.memref_slice %arg2[%dma_wait3A_54, %dma_wait3A_55] : memref<8192x32xf32, #tpu.memory_space<hbm>> -> memref<8192x32xf32, #tpu.memory_space<hbm>>
    tpu.wait_indirect_dma semaphore(%arg8 : memref<!tpu.dma_semaphore, #tpu.memory_space<semaphore_mem>>) src(%dma_wait3A_56 : memref<8192x32xf32, #tpu.memory_space<hbm>>) dst(%dma_wait3A_50 : memref<256x32xf32, #tpu.memory_space<vmem>>)
    %add3A_57 = arith.constant 256 : i32
    %add3A_58 = arith.addi %mul3A_2, %add3A_57 : i32
    %run_scoped3A_59 = arith.constant 1 : i32
    "tpu.region"() ({
      %run_scoped3A_60 = tpu.sem_alloc : memref<!tpu.dma_semaphore, #tpu.memory_space<semaphore_mem>>
      %dma_start3A_61 = arith.constant 0 : i32
      %dma_start3A_62 = arith.constant 0 : i32
      %dma_start3A_63 = tpu.memref_slice %arg6[%run_scoped3A_59, %dma_start3A_61, %dma_start3A_62] : memref<2x256x32xf32, #tpu.memory_space<vmem>> -> memref<1x256x32xf32, #tpu.memory_space<vmem>>
      %dma_start3A_64 = tpu.memref_squeeze %dma_start3A_63 : memref<1x256x32xf32, #tpu.memory_space<vmem>> -> memref<256x32xf32, #tpu.memory_space<vmem>>
      %dma_start3A_65 = arith.constant 0 : i32
      %dma_start3A_66 = tpu.memref_slice %arg4[%add3A_58, %dma_start3A_65] : memref<16384x32xf32, #tpu.memory_space<hbm>> -> memref<256x32xf32, #tpu.memory_space<hbm>>
      %dma_start3A_67 = arith.constant 0 : i32
      %dma_start3A_68 = tpu.memref_slice %arg4[%add3A_58, %dma_start3A_67] : memref<16384x32xf32, #tpu.memory_space<hbm>> -> memref<256x32xf32, #tpu.memory_space<hbm>>
      %dma_start3A_69 = arith.constant 0 : i32
      %dma_start3A_70 = arith.constant 0 : i32
      %dma_start3A_71 = tpu.memref_slice %arg6[%run_scoped3A_59, %dma_start3A_69, %dma_start3A_70] : memref<2x256x32xf32, #tpu.memory_space<vmem>> -> memref<1x256x32xf32, #tpu.memory_space<vmem>>
      %dma_start3A_72 = tpu.memref_squeeze %dma_start3A_71 : memref<1x256x32xf32, #tpu.memory_space<vmem>> -> memref<256x32xf32, #tpu.memory_space<vmem>>
      tpu.enqueue_dma source(%dma_start3A_72 : memref<256x32xf32, #tpu.memory_space<vmem>>) target(%dma_start3A_68 : memref<256x32xf32, #tpu.memory_space<hbm>>) target_semaphore(%run_scoped3A_60 : memref<!tpu.dma_semaphore, #tpu.memory_space<semaphore_mem>>)
      %dma_wait3A_73 = arith.constant 0 : i32
      %dma_wait3A_74 = arith.constant 0 : i32
      %dma_wait3A_75 = tpu.memref_slice %arg6[%run_scoped3A_59, %dma_wait3A_73, %dma_wait3A_74] : memref<2x256x32xf32, #tpu.memory_space<vmem>> -> memref<1x256x32xf32, #tpu.memory_space<vmem>>
      %dma_wait3A_76 = tpu.memref_squeeze %dma_wait3A_75 : memref<1x256x32xf32, #tpu.memory_space<vmem>> -> memref<256x32xf32, #tpu.memory_space<vmem>>
      %dma_wait3A_77 = arith.constant 0 : i32
      %dma_wait3A_78 = tpu.memref_slice %arg4[%add3A_58, %dma_wait3A_77] : memref<16384x32xf32, #tpu.memory_space<hbm>> -> memref<256x32xf32, #tpu.memory_space<hbm>>
      %dma_wait3A_79 = arith.constant 0 : i32
      %dma_wait3A_80 = tpu.memref_slice %arg4[%add3A_58, %dma_wait3A_79] : memref<16384x32xf32, #tpu.memory_space<hbm>> -> memref<256x32xf32, #tpu.memory_space<hbm>>
      %dma_wait3A_81 = arith.constant 0 : i32
      %dma_wait3A_82 = arith.constant 0 : i32
      %dma_wait3A_83 = tpu.memref_slice %arg6[%run_scoped3A_59, %dma_wait3A_81, %dma_wait3A_82] : memref<2x256x32xf32, #tpu.memory_space<vmem>> -> memref<1x256x32xf32, #tpu.memory_space<vmem>>
      %dma_wait3A_84 = tpu.memref_squeeze %dma_wait3A_83 : memref<1x256x32xf32, #tpu.memory_space<vmem>> -> memref<256x32xf32, #tpu.memory_space<vmem>>
      tpu.wait_dma2 semaphore(%run_scoped3A_60 : memref<!tpu.dma_semaphore, #tpu.memory_space<semaphore_mem>>) src(%dma_wait3A_84 : memref<256x32xf32, #tpu.memory_space<vmem>>) dst(%dma_wait3A_80 : memref<256x32xf32, #tpu.memory_space<hbm>>)
      tpu.yield
    }) : () -> ()
    return
  }
}

module attributes {stable_mosaic.version = 14 : i64} {
  func.func @_argmin_body(%arg0: i32, %arg1: memref<2048x32xf32, #tpu.memory_space<vmem>>, %arg2: memref<8192x32xf32, #tpu.memory_space<vmem>>, %arg3: memref<1x8192xf32, #tpu.memory_space<vmem>>, %arg4: memref<1x8x256xi32, #tpu.memory_space<vmem>>, %arg5: memref<256x8192xf32, #tpu.memory_space<vmem>>, %arg6: memref<256x8192xf32, #tpu.memory_space<vmem>>, %arg7: memref<256x8192xf32, #tpu.memory_space<vmem>>, %arg8: memref<256x8192xf32, #tpu.memory_space<vmem>>, %arg9: memref<256x8192xf32, #tpu.memory_space<vmem>>, %arg10: memref<256x8192xf32, #tpu.memory_space<vmem>>, %arg11: memref<256x8192xf32, #tpu.memory_space<vmem>>, %arg12: memref<256x8192xf32, #tpu.memory_space<vmem>>, %arg13: memref<256x1xf32, #tpu.memory_space<vmem>>, %arg14: memref<256x1xf32, #tpu.memory_space<vmem>>, %arg15: memref<256x1xf32, #tpu.memory_space<vmem>>, %arg16: memref<256x1xf32, #tpu.memory_space<vmem>>, %arg17: memref<256x1xf32, #tpu.memory_space<vmem>>, %arg18: memref<256x1xf32, #tpu.memory_space<vmem>>, %arg19: memref<256x1xf32, #tpu.memory_space<vmem>>, %arg20: memref<256x1xf32, #tpu.memory_space<vmem>>) attributes {dimension_semantics = [#tpu.dimension_semantics<arbitrary>], iteration_bounds = array<i64: 8>, scalar_prefetch = 0 : i64, scratch_operands = 16 : i64, tpu.core_type = #tpu.core_type<tc>, window_params = [{transform_indices = @transform_0, window_bounds = array<i64: 2048, 32>}, {pipeline_mode = #tpu.pipeline_mode<synchronous>, transform_indices = @transform_1, window_bounds = array<i64: 8192, 32>}, {pipeline_mode = #tpu.pipeline_mode<synchronous>, transform_indices = @transform_2, window_bounds = array<i64: 1, 8192>}, {transform_indices = @transform_3, window_bounds = array<i64: 1, 8, 256>}]} {
    %get3A = arith.constant 0 : index
    %get3A_0 = arith.constant 0 : index
    %get3A_1 = vector.load %arg2[%get3A, %get3A_0] : memref<8192x32xf32, #tpu.memory_space<vmem>>, vector<8192x32xf32>
    %get3A_2 = arith.constant 0 : index
    %get3A_3 = arith.constant 0 : index
    %get3A_4 = vector.load %arg3[%get3A_2, %get3A_3] : memref<1x8192xf32, #tpu.memory_space<vmem>>, vector<1x8192xf32>
    %get3A_5 = arith.constant 0 : index
    %get3A_6 = arith.constant 0 : index
    %get3A_7 = vector.load %arg1[%get3A_5, %get3A_6] : memref<2048x32xf32, #tpu.memory_space<vmem>>, vector<256x32xf32>
    %mul3A = arith.mulf %get3A_7, %get3A_7 : vector<256x32xf32>
    %reduce_sum3A = arith.constant dense<0.000000e+00> : vector<256xf32>
    %reduce_sum3A_8 = vector.multi_reduction <add>, %mul3A, %reduce_sum3A [1] : vector<256x32xf32> to vector<256xf32>
    %broadcast_in_dim3A = vector.shape_cast %reduce_sum3A_8 : vector<256xf32> to vector<256x1xf32>
    %swap3A = arith.constant 0 : index
    %swap3A_9 = arith.constant 0 : index
    %swap3A_10 = vector.load %arg13[%swap3A, %swap3A_9] : memref<256x1xf32, #tpu.memory_space<vmem>>, vector<256x1xf32>
    tpu.vector_store %arg13[%swap3A, %swap3A_9], %broadcast_in_dim3A {strides = array<i32>} : memref<256x1xf32, #tpu.memory_space<vmem>>, vector<256x1xf32>,
    %mul3A_11 = arith.constant -2.000000e+00 : f32
    %mul3A_12 = vector.broadcast %mul3A_11 : f32 to vector<256x32xf32>
    %mul3A_13 = arith.mulf %mul3A_12, %get3A_7 : vector<256x32xf32>
    %dot_general3A = arith.constant dense<0.000000e+00> : vector<256x8192xf32>
    %dot_general3A_14 = tpu.matmul %mul3A_13, %get3A_1, %dot_general3A {dimension_numbers = #tpu.dot_dimension_numbers<[1], [1], [0], [0], [0, 0, 1, 0], [], []>, transpose_lhs_hint = false} : vector<256x32xf32>, vector<8192x32xf32>, vector<256x8192xf32> -> vector<256x8192xf32>
    %swap3A_15 = arith.constant 0 : index
    %swap3A_16 = arith.constant 0 : index
    %swap3A_17 = vector.load %arg5[%swap3A_15, %swap3A_16] : memref<256x8192xf32, #tpu.memory_space<vmem>>, vector<256x8192xf32>
    tpu.vector_store %arg5[%swap3A_15, %swap3A_16], %dot_general3A_14 {strides = array<i32>} : memref<256x8192xf32, #tpu.memory_space<vmem>>, vector<256x8192xf32>,
    %get3A_18 = arith.constant 256 : index
    %get3A_19 = arith.constant 0 : index
    %get3A_20 = vector.load %arg1[%get3A_18, %get3A_19] : memref<2048x32xf32, #tpu.memory_space<vmem>>, vector<256x32xf32>
    %mul3A_21 = arith.mulf %get3A_20, %get3A_20 : vector<256x32xf32>
    %reduce_sum3A_22 = arith.constant dense<0.000000e+00> : vector<256xf32>
    %reduce_sum3A_23 = vector.multi_reduction <add>, %mul3A_21, %reduce_sum3A_22 [1] : vector<256x32xf32> to vector<256xf32>
    %broadcast_in_dim3A_24 = vector.shape_cast %reduce_sum3A_23 : vector<256xf32> to vector<256x1xf32>
    %swap3A_25 = arith.constant 0 : index
    %swap3A_26 = arith.constant 0 : index
    %swap3A_27 = vector.load %arg14[%swap3A_25, %swap3A_26] : memref<256x1xf32, #tpu.memory_space<vmem>>, vector<256x1xf32>
    tpu.vector_store %arg14[%swap3A_25, %swap3A_26], %broadcast_in_dim3A_24 {strides = array<i32>} : memref<256x1xf32, #tpu.memory_space<vmem>>, vector<256x1xf32>,
    %mul3A_28 = arith.constant -2.000000e+00 : f32
    %mul3A_29 = vector.broadcast %mul3A_28 : f32 to vector<256x32xf32>
    %mul3A_30 = arith.mulf %mul3A_29, %get3A_20 : vector<256x32xf32>
    %dot_general3A_31 = arith.constant dense<0.000000e+00> : vector<256x8192xf32>
    %dot_general3A_32 = tpu.matmul %mul3A_30, %get3A_1, %dot_general3A_31 {dimension_numbers = #tpu.dot_dimension_numbers<[1], [1], [0], [0], [0, 0, 1, 0], [], []>, transpose_lhs_hint = false} : vector<256x32xf32>, vector<8192x32xf32>, vector<256x8192xf32> -> vector<256x8192xf32>
    %swap3A_33 = arith.constant 0 : index
    %swap3A_34 = arith.constant 0 : index
    %swap3A_35 = vector.load %arg6[%swap3A_33, %swap3A_34] : memref<256x8192xf32, #tpu.memory_space<vmem>>, vector<256x8192xf32>
    tpu.vector_store %arg6[%swap3A_33, %swap3A_34], %dot_general3A_32 {strides = array<i32>} : memref<256x8192xf32, #tpu.memory_space<vmem>>, vector<256x8192xf32>,
    %get3A_36 = arith.constant 0 : index
    %get3A_37 = arith.constant 0 : index
    %get3A_38 = vector.load %arg13[%get3A_36, %get3A_37] : memref<256x1xf32, #tpu.memory_space<vmem>>, vector<256x1xf32>
    %add3A = vector.broadcast %get3A_38 : vector<256x1xf32> to vector<256x8192xf32>
    %add3A_39 = vector.broadcast %get3A_4 : vector<1x8192xf32> to vector<256x8192xf32>
    %add3A_40 = arith.addf %add3A, %add3A_39 : vector<256x8192xf32>
    %get3A_41 = arith.constant 0 : index
    %get3A_42 = arith.constant 0 : index
    %get3A_43 = vector.load %arg5[%get3A_41, %get3A_42] : memref<256x8192xf32, #tpu.memory_space<vmem>>, vector<256x8192xf32>
    %add3A_44 = arith.addf %add3A_40, %get3A_43 : vector<256x8192xf32>
    %argmin3A = tpu.reduce_index %add3A_44 {axis = 1 : i32, kind = #tpu.reduction_kind<arg_min>} : vector<256x8192xf32> -> vector<256xi32>
    %swap3A_45 = arith.constant 0 : index
    %swap3A_46 = arith.constant 0 : index
    %swap3A_47 = arith.constant 0 : index
    %swap3A_48 = vector.load %arg4[%swap3A_45, %swap3A_46, %swap3A_47] : memref<1x8x256xi32, #tpu.memory_space<vmem>>, vector<1x1x256xi32>
    %swap3A_49 = vector.shape_cast %swap3A_48 : vector<1x1x256xi32> to vector<256xi32>
    %swap3A_50 = vector.shape_cast %argmin3A : vector<256xi32> to vector<1x1x256xi32>
    tpu.vector_store %arg4[%swap3A_45, %swap3A_46, %swap3A_47], %swap3A_50 {strides = array<i32>} : memref<1x8x256xi32, #tpu.memory_space<vmem>>, vector<1x1x256xi32>,
    %get3A_51 = arith.constant 512 : index
    %get3A_52 = arith.constant 0 : index
    %get3A_53 = vector.load %arg1[%get3A_51, %get3A_52] : memref<2048x32xf32, #tpu.memory_space<vmem>>, vector<256x32xf32>
    %mul3A_54 = arith.mulf %get3A_53, %get3A_53 : vector<256x32xf32>
    %reduce_sum3A_55 = arith.constant dense<0.000000e+00> : vector<256xf32>
    %reduce_sum3A_56 = vector.multi_reduction <add>, %mul3A_54, %reduce_sum3A_55 [1] : vector<256x32xf32> to vector<256xf32>
    %broadcast_in_dim3A_57 = vector.shape_cast %reduce_sum3A_56 : vector<256xf32> to vector<256x1xf32>
    %swap3A_58 = arith.constant 0 : index
    %swap3A_59 = arith.constant 0 : index
    %swap3A_60 = vector.load %arg15[%swap3A_58, %swap3A_59] : memref<256x1xf32, #tpu.memory_space<vmem>>, vector<256x1xf32>
    tpu.vector_store %arg15[%swap3A_58, %swap3A_59], %broadcast_in_dim3A_57 {strides = array<i32>} : memref<256x1xf32, #tpu.memory_space<vmem>>, vector<256x1xf32>,
    %mul3A_61 = arith.constant -2.000000e+00 : f32
    %mul3A_62 = vector.broadcast %mul3A_61 : f32 to vector<256x32xf32>
    %mul3A_63 = arith.mulf %mul3A_62, %get3A_53 : vector<256x32xf32>
    %dot_general3A_64 = arith.constant dense<0.000000e+00> : vector<256x8192xf32>
    %dot_general3A_65 = tpu.matmul %mul3A_63, %get3A_1, %dot_general3A_64 {dimension_numbers = #tpu.dot_dimension_numbers<[1], [1], [0], [0], [0, 0, 1, 0], [], []>, transpose_lhs_hint = false} : vector<256x32xf32>, vector<8192x32xf32>, vector<256x8192xf32> -> vector<256x8192xf32>
    %swap3A_66 = arith.constant 0 : index
    %swap3A_67 = arith.constant 0 : index
    %swap3A_68 = vector.load %arg7[%swap3A_66, %swap3A_67] : memref<256x8192xf32, #tpu.memory_space<vmem>>, vector<256x8192xf32>
    tpu.vector_store %arg7[%swap3A_66, %swap3A_67], %dot_general3A_65 {strides = array<i32>} : memref<256x8192xf32, #tpu.memory_space<vmem>>, vector<256x8192xf32>,
    %get3A_69 = arith.constant 0 : index
    %get3A_70 = arith.constant 0 : index
    %get3A_71 = vector.load %arg14[%get3A_69, %get3A_70] : memref<256x1xf32, #tpu.memory_space<vmem>>, vector<256x1xf32>
    %add3A_72 = vector.broadcast %get3A_71 : vector<256x1xf32> to vector<256x8192xf32>
    %add3A_73 = vector.broadcast %get3A_4 : vector<1x8192xf32> to vector<256x8192xf32>
    %add3A_74 = arith.addf %add3A_72, %add3A_73 : vector<256x8192xf32>
    %get3A_75 = arith.constant 0 : index
    %get3A_76 = arith.constant 0 : index
    %get3A_77 = vector.load %arg6[%get3A_75, %get3A_76] : memref<256x8192xf32, #tpu.memory_space<vmem>>, vector<256x8192xf32>
    %add3A_78 = arith.addf %add3A_74, %get3A_77 : vector<256x8192xf32>
    %argmin3A_79 = tpu.reduce_index %add3A_78 {axis = 1 : i32, kind = #tpu.reduction_kind<arg_min>} : vector<256x8192xf32> -> vector<256xi32>
    %swap3A_80 = arith.constant 0 : index
    %swap3A_81 = arith.constant 1 : index
    %swap3A_82 = arith.constant 0 : index
    %swap3A_83 = vector.load %arg4[%swap3A_80, %swap3A_81, %swap3A_82] : memref<1x8x256xi32, #tpu.memory_space<vmem>>, vector<1x1x256xi32>
    %swap3A_84 = vector.shape_cast %swap3A_83 : vector<1x1x256xi32> to vector<256xi32>
    %swap3A_85 = vector.shape_cast %argmin3A_79 : vector<256xi32> to vector<1x1x256xi32>
    tpu.vector_store %arg4[%swap3A_80, %swap3A_81, %swap3A_82], %swap3A_85 {strides = array<i32>} : memref<1x8x256xi32, #tpu.memory_space<vmem>>, vector<1x1x256xi32>,
    %get3A_86 = arith.constant 768 : index
    %get3A_87 = arith.constant 0 : index
    %get3A_88 = vector.load %arg1[%get3A_86, %get3A_87] : memref<2048x32xf32, #tpu.memory_space<vmem>>, vector<256x32xf32>
    %mul3A_89 = arith.mulf %get3A_88, %get3A_88 : vector<256x32xf32>
    %reduce_sum3A_90 = arith.constant dense<0.000000e+00> : vector<256xf32>
    %reduce_sum3A_91 = vector.multi_reduction <add>, %mul3A_89, %reduce_sum3A_90 [1] : vector<256x32xf32> to vector<256xf32>
    %broadcast_in_dim3A_92 = vector.shape_cast %reduce_sum3A_91 : vector<256xf32> to vector<256x1xf32>
    %swap3A_93 = arith.constant 0 : index
    %swap3A_94 = arith.constant 0 : index
    %swap3A_95 = vector.load %arg16[%swap3A_93, %swap3A_94] : memref<256x1xf32, #tpu.memory_space<vmem>>, vector<256x1xf32>
    tpu.vector_store %arg16[%swap3A_93, %swap3A_94], %broadcast_in_dim3A_92 {strides = array<i32>} : memref<256x1xf32, #tpu.memory_space<vmem>>, vector<256x1xf32>,
    %mul3A_96 = arith.constant -2.000000e+00 : f32
    %mul3A_97 = vector.broadcast %mul3A_96 : f32 to vector<256x32xf32>
    %mul3A_98 = arith.mulf %mul3A_97, %get3A_88 : vector<256x32xf32>
    %dot_general3A_99 = arith.constant dense<0.000000e+00> : vector<256x8192xf32>
    %dot_general3A_100 = tpu.matmul %mul3A_98, %get3A_1, %dot_general3A_99 {dimension_numbers = #tpu.dot_dimension_numbers<[1], [1], [0], [0], [0, 0, 1, 0], [], []>, transpose_lhs_hint = false} : vector<256x32xf32>, vector<8192x32xf32>, vector<256x8192xf32> -> vector<256x8192xf32>
    %swap3A_101 = arith.constant 0 : index
    %swap3A_102 = arith.constant 0 : index
    %swap3A_103 = vector.load %arg8[%swap3A_101, %swap3A_102] : memref<256x8192xf32, #tpu.memory_space<vmem>>, vector<256x8192xf32>
    tpu.vector_store %arg8[%swap3A_101, %swap3A_102], %dot_general3A_100 {strides = array<i32>} : memref<256x8192xf32, #tpu.memory_space<vmem>>, vector<256x8192xf32>,
    %get3A_104 = arith.constant 0 : index
    %get3A_105 = arith.constant 0 : index
    %get3A_106 = vector.load %arg15[%get3A_104, %get3A_105] : memref<256x1xf32, #tpu.memory_space<vmem>>, vector<256x1xf32>
    %add3A_107 = vector.broadcast %get3A_106 : vector<256x1xf32> to vector<256x8192xf32>
    %add3A_108 = vector.broadcast %get3A_4 : vector<1x8192xf32> to vector<256x8192xf32>
    %add3A_109 = arith.addf %add3A_107, %add3A_108 : vector<256x8192xf32>
    %get3A_110 = arith.constant 0 : index
    %get3A_111 = arith.constant 0 : index
    %get3A_112 = vector.load %arg7[%get3A_110, %get3A_111] : memref<256x8192xf32, #tpu.memory_space<vmem>>, vector<256x8192xf32>
    %add3A_113 = arith.addf %add3A_109, %get3A_112 : vector<256x8192xf32>
    %argmin3A_114 = tpu.reduce_index %add3A_113 {axis = 1 : i32, kind = #tpu.reduction_kind<arg_min>} : vector<256x8192xf32> -> vector<256xi32>
    %swap3A_115 = arith.constant 0 : index
    %swap3A_116 = arith.constant 2 : index
    %swap3A_117 = arith.constant 0 : index
    %swap3A_118 = vector.load %arg4[%swap3A_115, %swap3A_116, %swap3A_117] : memref<1x8x256xi32, #tpu.memory_space<vmem>>, vector<1x1x256xi32>
    %swap3A_119 = vector.shape_cast %swap3A_118 : vector<1x1x256xi32> to vector<256xi32>
    %swap3A_120 = vector.shape_cast %argmin3A_114 : vector<256xi32> to vector<1x1x256xi32>
    tpu.vector_store %arg4[%swap3A_115, %swap3A_116, %swap3A_117], %swap3A_120 {strides = array<i32>} : memref<1x8x256xi32, #tpu.memory_space<vmem>>, vector<1x1x256xi32>,
    %get3A_121 = arith.constant 1024 : index
    %get3A_122 = arith.constant 0 : index
    %get3A_123 = vector.load %arg1[%get3A_121, %get3A_122] : memref<2048x32xf32, #tpu.memory_space<vmem>>, vector<256x32xf32>
    %mul3A_124 = arith.mulf %get3A_123, %get3A_123 : vector<256x32xf32>
    %reduce_sum3A_125 = arith.constant dense<0.000000e+00> : vector<256xf32>
    %reduce_sum3A_126 = vector.multi_reduction <add>, %mul3A_124, %reduce_sum3A_125 [1] : vector<256x32xf32> to vector<256xf32>
    %broadcast_in_dim3A_127 = vector.shape_cast %reduce_sum3A_126 : vector<256xf32> to vector<256x1xf32>
    %swap3A_128 = arith.constant 0 : index
    %swap3A_129 = arith.constant 0 : index
    %swap3A_130 = vector.load %arg17[%swap3A_128, %swap3A_129] : memref<256x1xf32, #tpu.memory_space<vmem>>, vector<256x1xf32>
    tpu.vector_store %arg17[%swap3A_128, %swap3A_129], %broadcast_in_dim3A_127 {strides = array<i32>} : memref<256x1xf32, #tpu.memory_space<vmem>>, vector<256x1xf32>,
    %mul3A_131 = arith.constant -2.000000e+00 : f32
    %mul3A_132 = vector.broadcast %mul3A_131 : f32 to vector<256x32xf32>
    %mul3A_133 = arith.mulf %mul3A_132, %get3A_123 : vector<256x32xf32>
    %dot_general3A_134 = arith.constant dense<0.000000e+00> : vector<256x8192xf32>
    %dot_general3A_135 = tpu.matmul %mul3A_133, %get3A_1, %dot_general3A_134 {dimension_numbers = #tpu.dot_dimension_numbers<[1], [1], [0], [0], [0, 0, 1, 0], [], []>, transpose_lhs_hint = false} : vector<256x32xf32>, vector<8192x32xf32>, vector<256x8192xf32> -> vector<256x8192xf32>
    %swap3A_136 = arith.constant 0 : index
    %swap3A_137 = arith.constant 0 : index
    %swap3A_138 = vector.load %arg9[%swap3A_136, %swap3A_137] : memref<256x8192xf32, #tpu.memory_space<vmem>>, vector<256x8192xf32>
    tpu.vector_store %arg9[%swap3A_136, %swap3A_137], %dot_general3A_135 {strides = array<i32>} : memref<256x8192xf32, #tpu.memory_space<vmem>>, vector<256x8192xf32>,
    %get3A_139 = arith.constant 0 : index
    %get3A_140 = arith.constant 0 : index
    %get3A_141 = vector.load %arg16[%get3A_139, %get3A_140] : memref<256x1xf32, #tpu.memory_space<vmem>>, vector<256x1xf32>
    %add3A_142 = vector.broadcast %get3A_141 : vector<256x1xf32> to vector<256x8192xf32>
    %add3A_143 = vector.broadcast %get3A_4 : vector<1x8192xf32> to vector<256x8192xf32>
    %add3A_144 = arith.addf %add3A_142, %add3A_143 : vector<256x8192xf32>
    %get3A_145 = arith.constant 0 : index
    %get3A_146 = arith.constant 0 : index
    %get3A_147 = vector.load %arg8[%get3A_145, %get3A_146] : memref<256x8192xf32, #tpu.memory_space<vmem>>, vector<256x8192xf32>
    %add3A_148 = arith.addf %add3A_144, %get3A_147 : vector<256x8192xf32>
    %argmin3A_149 = tpu.reduce_index %add3A_148 {axis = 1 : i32, kind = #tpu.reduction_kind<arg_min>} : vector<256x8192xf32> -> vector<256xi32>
    %swap3A_150 = arith.constant 0 : index
    %swap3A_151 = arith.constant 3 : index
    %swap3A_152 = arith.constant 0 : index
    %swap3A_153 = vector.load %arg4[%swap3A_150, %swap3A_151, %swap3A_152] : memref<1x8x256xi32, #tpu.memory_space<vmem>>, vector<1x1x256xi32>
    %swap3A_154 = vector.shape_cast %swap3A_153 : vector<1x1x256xi32> to vector<256xi32>
    %swap3A_155 = vector.shape_cast %argmin3A_149 : vector<256xi32> to vector<1x1x256xi32>
    tpu.vector_store %arg4[%swap3A_150, %swap3A_151, %swap3A_152], %swap3A_155 {strides = array<i32>} : memref<1x8x256xi32, #tpu.memory_space<vmem>>, vector<1x1x256xi32>,
    %get3A_156 = arith.constant 1280 : index
    %get3A_157 = arith.constant 0 : index
    %get3A_158 = vector.load %arg1[%get3A_156, %get3A_157] : memref<2048x32xf32, #tpu.memory_space<vmem>>, vector<256x32xf32>
    %mul3A_159 = arith.mulf %get3A_158, %get3A_158 : vector<256x32xf32>
    %reduce_sum3A_160 = arith.constant dense<0.000000e+00> : vector<256xf32>
    %reduce_sum3A_161 = vector.multi_reduction <add>, %mul3A_159, %reduce_sum3A_160 [1] : vector<256x32xf32> to vector<256xf32>
    %broadcast_in_dim3A_162 = vector.shape_cast %reduce_sum3A_161 : vector<256xf32> to vector<256x1xf32>
    %swap3A_163 = arith.constant 0 : index
    %swap3A_164 = arith.constant 0 : index
    %swap3A_165 = vector.load %arg18[%swap3A_163, %swap3A_164] : memref<256x1xf32, #tpu.memory_space<vmem>>, vector<256x1xf32>
    tpu.vector_store %arg18[%swap3A_163, %swap3A_164], %broadcast_in_dim3A_162 {strides = array<i32>} : memref<256x1xf32, #tpu.memory_space<vmem>>, vector<256x1xf32>,
    %mul3A_166 = arith.constant -2.000000e+00 : f32
    %mul3A_167 = vector.broadcast %mul3A_166 : f32 to vector<256x32xf32>
    %mul3A_168 = arith.mulf %mul3A_167, %get3A_158 : vector<256x32xf32>
    %dot_general3A_169 = arith.constant dense<0.000000e+00> : vector<256x8192xf32>
    %dot_general3A_170 = tpu.matmul %mul3A_168, %get3A_1, %dot_general3A_169 {dimension_numbers = #tpu.dot_dimension_numbers<[1], [1], [0], [0], [0, 0, 1, 0], [], []>, transpose_lhs_hint = false} : vector<256x32xf32>, vector<8192x32xf32>, vector<256x8192xf32> -> vector<256x8192xf32>
    %swap3A_171 = arith.constant 0 : index
    %swap3A_172 = arith.constant 0 : index
    %swap3A_173 = vector.load %arg10[%swap3A_171, %swap3A_172] : memref<256x8192xf32, #tpu.memory_space<vmem>>, vector<256x8192xf32>
    tpu.vector_store %arg10[%swap3A_171, %swap3A_172], %dot_general3A_170 {strides = array<i32>} : memref<256x8192xf32, #tpu.memory_space<vmem>>, vector<256x8192xf32>,
    %get3A_174 = arith.constant 0 : index
    %get3A_175 = arith.constant 0 : index
    %get3A_176 = vector.load %arg17[%get3A_174, %get3A_175] : memref<256x1xf32, #tpu.memory_space<vmem>>, vector<256x1xf32>
    %add3A_177 = vector.broadcast %get3A_176 : vector<256x1xf32> to vector<256x8192xf32>
    %add3A_178 = vector.broadcast %get3A_4 : vector<1x8192xf32> to vector<256x8192xf32>
    %add3A_179 = arith.addf %add3A_177, %add3A_178 : vector<256x8192xf32>
    %get3A_180 = arith.constant 0 : index
    %get3A_181 = arith.constant 0 : index
    %get3A_182 = vector.load %arg9[%get3A_180, %get3A_181] : memref<256x8192xf32, #tpu.memory_space<vmem>>, vector<256x8192xf32>
    %add3A_183 = arith.addf %add3A_179, %get3A_182 : vector<256x8192xf32>
    %argmin3A_184 = tpu.reduce_index %add3A_183 {axis = 1 : i32, kind = #tpu.reduction_kind<arg_min>} : vector<256x8192xf32> -> vector<256xi32>
    %swap3A_185 = arith.constant 0 : index
    %swap3A_186 = arith.constant 4 : index
    %swap3A_187 = arith.constant 0 : index
    %swap3A_188 = vector.load %arg4[%swap3A_185, %swap3A_186, %swap3A_187] : memref<1x8x256xi32, #tpu.memory_space<vmem>>, vector<1x1x256xi32>
    %swap3A_189 = vector.shape_cast %swap3A_188 : vector<1x1x256xi32> to vector<256xi32>
    %swap3A_190 = vector.shape_cast %argmin3A_184 : vector<256xi32> to vector<1x1x256xi32>
    tpu.vector_store %arg4[%swap3A_185, %swap3A_186, %swap3A_187], %swap3A_190 {strides = array<i32>} : memref<1x8x256xi32, #tpu.memory_space<vmem>>, vector<1x1x256xi32>,
    %get3A_191 = arith.constant 1536 : index
    %get3A_192 = arith.constant 0 : index
    %get3A_193 = vector.load %arg1[%get3A_191, %get3A_192] : memref<2048x32xf32, #tpu.memory_space<vmem>>, vector<256x32xf32>
    %mul3A_194 = arith.mulf %get3A_193, %get3A_193 : vector<256x32xf32>
    %reduce_sum3A_195 = arith.constant dense<0.000000e+00> : vector<256xf32>
    %reduce_sum3A_196 = vector.multi_reduction <add>, %mul3A_194, %reduce_sum3A_195 [1] : vector<256x32xf32> to vector<256xf32>
    %broadcast_in_dim3A_197 = vector.shape_cast %reduce_sum3A_196 : vector<256xf32> to vector<256x1xf32>
    %swap3A_198 = arith.constant 0 : index
    %swap3A_199 = arith.constant 0 : index
    %swap3A_200 = vector.load %arg19[%swap3A_198, %swap3A_199] : memref<256x1xf32, #tpu.memory_space<vmem>>, vector<256x1xf32>
    tpu.vector_store %arg19[%swap3A_198, %swap3A_199], %broadcast_in_dim3A_197 {strides = array<i32>} : memref<256x1xf32, #tpu.memory_space<vmem>>, vector<256x1xf32>,
    %mul3A_201 = arith.constant -2.000000e+00 : f32
    %mul3A_202 = vector.broadcast %mul3A_201 : f32 to vector<256x32xf32>
    %mul3A_203 = arith.mulf %mul3A_202, %get3A_193 : vector<256x32xf32>
    %dot_general3A_204 = arith.constant dense<0.000000e+00> : vector<256x8192xf32>
    %dot_general3A_205 = tpu.matmul %mul3A_203, %get3A_1, %dot_general3A_204 {dimension_numbers = #tpu.dot_dimension_numbers<[1], [1], [0], [0], [0, 0, 1, 0], [], []>, transpose_lhs_hint = false} : vector<256x32xf32>, vector<8192x32xf32>, vector<256x8192xf32> -> vector<256x8192xf32>
    %swap3A_206 = arith.constant 0 : index
    %swap3A_207 = arith.constant 0 : index
    %swap3A_208 = vector.load %arg11[%swap3A_206, %swap3A_207] : memref<256x8192xf32, #tpu.memory_space<vmem>>, vector<256x8192xf32>
    tpu.vector_store %arg11[%swap3A_206, %swap3A_207], %dot_general3A_205 {strides = array<i32>} : memref<256x8192xf32, #tpu.memory_space<vmem>>, vector<256x8192xf32>,
    %get3A_209 = arith.constant 0 : index
    %get3A_210 = arith.constant 0 : index
    %get3A_211 = vector.load %arg18[%get3A_209, %get3A_210] : memref<256x1xf32, #tpu.memory_space<vmem>>, vector<256x1xf32>
    %add3A_212 = vector.broadcast %get3A_211 : vector<256x1xf32> to vector<256x8192xf32>
    %add3A_213 = vector.broadcast %get3A_4 : vector<1x8192xf32> to vector<256x8192xf32>
    %add3A_214 = arith.addf %add3A_212, %add3A_213 : vector<256x8192xf32>
    %get3A_215 = arith.constant 0 : index
    %get3A_216 = arith.constant 0 : index
    %get3A_217 = vector.load %arg10[%get3A_215, %get3A_216] : memref<256x8192xf32, #tpu.memory_space<vmem>>, vector<256x8192xf32>
    %add3A_218 = arith.addf %add3A_214, %get3A_217 : vector<256x8192xf32>
    %argmin3A_219 = tpu.reduce_index %add3A_218 {axis = 1 : i32, kind = #tpu.reduction_kind<arg_min>} : vector<256x8192xf32> -> vector<256xi32>
    %swap3A_220 = arith.constant 0 : index
    %swap3A_221 = arith.constant 5 : index
    %swap3A_222 = arith.constant 0 : index
    %swap3A_223 = vector.load %arg4[%swap3A_220, %swap3A_221, %swap3A_222] : memref<1x8x256xi32, #tpu.memory_space<vmem>>, vector<1x1x256xi32>
    %swap3A_224 = vector.shape_cast %swap3A_223 : vector<1x1x256xi32> to vector<256xi32>
    %swap3A_225 = vector.shape_cast %argmin3A_219 : vector<256xi32> to vector<1x1x256xi32>
    tpu.vector_store %arg4[%swap3A_220, %swap3A_221, %swap3A_222], %swap3A_225 {strides = array<i32>} : memref<1x8x256xi32, #tpu.memory_space<vmem>>, vector<1x1x256xi32>,
    %get3A_226 = arith.constant 1792 : index
    %get3A_227 = arith.constant 0 : index
    %get3A_228 = vector.load %arg1[%get3A_226, %get3A_227] : memref<2048x32xf32, #tpu.memory_space<vmem>>, vector<256x32xf32>
    %mul3A_229 = arith.mulf %get3A_228, %get3A_228 : vector<256x32xf32>
    %reduce_sum3A_230 = arith.constant dense<0.000000e+00> : vector<256xf32>
    %reduce_sum3A_231 = vector.multi_reduction <add>, %mul3A_229, %reduce_sum3A_230 [1] : vector<256x32xf32> to vector<256xf32>
    %broadcast_in_dim3A_232 = vector.shape_cast %reduce_sum3A_231 : vector<256xf32> to vector<256x1xf32>
    %swap3A_233 = arith.constant 0 : index
    %swap3A_234 = arith.constant 0 : index
    %swap3A_235 = vector.load %arg20[%swap3A_233, %swap3A_234] : memref<256x1xf32, #tpu.memory_space<vmem>>, vector<256x1xf32>
    tpu.vector_store %arg20[%swap3A_233, %swap3A_234], %broadcast_in_dim3A_232 {strides = array<i32>} : memref<256x1xf32, #tpu.memory_space<vmem>>, vector<256x1xf32>,
    %mul3A_236 = arith.constant -2.000000e+00 : f32
    %mul3A_237 = vector.broadcast %mul3A_236 : f32 to vector<256x32xf32>
    %mul3A_238 = arith.mulf %mul3A_237, %get3A_228 : vector<256x32xf32>
    %dot_general3A_239 = arith.constant dense<0.000000e+00> : vector<256x8192xf32>
    %dot_general3A_240 = tpu.matmul %mul3A_238, %get3A_1, %dot_general3A_239 {dimension_numbers = #tpu.dot_dimension_numbers<[1], [1], [0], [0], [0, 0, 1, 0], [], []>, transpose_lhs_hint = false} : vector<256x32xf32>, vector<8192x32xf32>, vector<256x8192xf32> -> vector<256x8192xf32>
    %swap3A_241 = arith.constant 0 : index
    %swap3A_242 = arith.constant 0 : index
    %swap3A_243 = vector.load %arg12[%swap3A_241, %swap3A_242] : memref<256x8192xf32, #tpu.memory_space<vmem>>, vector<256x8192xf32>
    tpu.vector_store %arg12[%swap3A_241, %swap3A_242], %dot_general3A_240 {strides = array<i32>} : memref<256x8192xf32, #tpu.memory_space<vmem>>, vector<256x8192xf32>,
    %get3A_244 = arith.constant 0 : index
    %get3A_245 = arith.constant 0 : index
    %get3A_246 = vector.load %arg19[%get3A_244, %get3A_245] : memref<256x1xf32, #tpu.memory_space<vmem>>, vector<256x1xf32>
    %add3A_247 = vector.broadcast %get3A_246 : vector<256x1xf32> to vector<256x8192xf32>
    %add3A_248 = vector.broadcast %get3A_4 : vector<1x8192xf32> to vector<256x8192xf32>
    %add3A_249 = arith.addf %add3A_247, %add3A_248 : vector<256x8192xf32>
    %get3A_250 = arith.constant 0 : index
    %get3A_251 = arith.constant 0 : index
    %get3A_252 = vector.load %arg11[%get3A_250, %get3A_251] : memref<256x8192xf32, #tpu.memory_space<vmem>>, vector<256x8192xf32>
    %add3A_253 = arith.addf %add3A_249, %get3A_252 : vector<256x8192xf32>
    %argmin3A_254 = tpu.reduce_index %add3A_253 {axis = 1 : i32, kind = #tpu.reduction_kind<arg_min>} : vector<256x8192xf32> -> vector<256xi32>
    %swap3A_255 = arith.constant 0 : index
    %swap3A_256 = arith.constant 6 : index
    %swap3A_257 = arith.constant 0 : index
    %swap3A_258 = vector.load %arg4[%swap3A_255, %swap3A_256, %swap3A_257] : memref<1x8x256xi32, #tpu.memory_space<vmem>>, vector<1x1x256xi32>
    %swap3A_259 = vector.shape_cast %swap3A_258 : vector<1x1x256xi32> to vector<256xi32>
    %swap3A_260 = vector.shape_cast %argmin3A_254 : vector<256xi32> to vector<1x1x256xi32>
    tpu.vector_store %arg4[%swap3A_255, %swap3A_256, %swap3A_257], %swap3A_260 {strides = array<i32>} : memref<1x8x256xi32, #tpu.memory_space<vmem>>, vector<1x1x256xi32>,
    %get3A_261 = arith.constant 0 : index
    %get3A_262 = arith.constant 0 : index
    %get3A_263 = vector.load %arg20[%get3A_261, %get3A_262] : memref<256x1xf32, #tpu.memory_space<vmem>>, vector<256x1xf32>
    %add3A_264 = vector.broadcast %get3A_263 : vector<256x1xf32> to vector<256x8192xf32>
    %add3A_265 = vector.broadcast %get3A_4 : vector<1x8192xf32> to vector<256x8192xf32>
    %add3A_266 = arith.addf %add3A_264, %add3A_265 : vector<256x8192xf32>
    %get3A_267 = arith.constant 0 : index
    %get3A_268 = arith.constant 0 : index
    %get3A_269 = vector.load %arg12[%get3A_267, %get3A_268] : memref<256x8192xf32, #tpu.memory_space<vmem>>, vector<256x8192xf32>
    %add3A_270 = arith.addf %add3A_266, %get3A_269 : vector<256x8192xf32>
    %argmin3A_271 = tpu.reduce_index %add3A_270 {axis = 1 : i32, kind = #tpu.reduction_kind<arg_min>} : vector<256x8192xf32> -> vector<256xi32>
    %swap3A_272 = arith.constant 0 : index
    %swap3A_273 = arith.constant 7 : index
    %swap3A_274 = arith.constant 0 : index
    %swap3A_275 = vector.load %arg4[%swap3A_272, %swap3A_273, %swap3A_274] : memref<1x8x256xi32, #tpu.memory_space<vmem>>, vector<1x1x256xi32>
    %swap3A_276 = vector.shape_cast %swap3A_275 : vector<1x1x256xi32> to vector<256xi32>
    %swap3A_277 = vector.shape_cast %argmin3A_271 : vector<256xi32> to vector<1x1x256xi32>
    tpu.vector_store %arg4[%swap3A_272, %swap3A_273, %swap3A_274], %swap3A_277 {strides = array<i32>} : memref<1x8x256xi32, #tpu.memory_space<vmem>>, vector<1x1x256xi32>,
    return
  }
  func.func @transform_0(%arg0: i32) -> (i32, i32) {
    %c0_i32 = arith.constant 0 : i32
    %c0_i32_0 = arith.constant 0 : i32
    return %arg0, %c0_i32 : i32, i32
  }
  func.func @transform_1(%arg0: i32) -> (i32, i32) {
    %c0_i32 = arith.constant 0 : i32
    %c0_i32_0 = arith.constant 0 : i32
    %c0_i32_1 = arith.constant 0 : i32
    return %c0_i32, %c0_i32_0 : i32, i32
  }
  func.func @transform_2(%arg0: i32) -> (i32, i32) {
    %c0_i32 = arith.constant 0 : i32
    %c0_i32_0 = arith.constant 0 : i32
    %c0_i32_1 = arith.constant 0 : i32
    return %c0_i32, %c0_i32_0 : i32, i32
  }
  func.func @transform_3(%arg0: i32) -> (i32, i32, i32) {
    %c0_i32 = arith.constant 0 : i32
    %c0_i32_0 = arith.constant 0 : i32
    %c0_i32_1 = arith.constant 0 : i32
    return %arg0, %c0_i32, %c0_i32_0 : i32, i32, i32
  }
}

</mosaic_0001>

<sc_bundles>
// kernel: kernel.4.cloned.1.call-start
scs
__scs_entry_jumppad:
0x0: {  	(pc) =	sbr.rel $0x88, $3  }
0x1: {  	(tag) =	ssettag $0x0;
	lr =	simm.s32 $0x1  }
0x2: {  	[smem:$0x3F9F] =	sst lr;
	_ =	strace $0xD0000000  }
0x3: {  	_ = 	snop  }
0x4: {  	_ = 	snop  }
0x5: {  	_ = 	snop  }
0x6: {  	_ = 	snop  }
0x7: {  	_ = 	snop  }
__scs_overlays_trampoline_lowered:
0x8: {  	[smem:$0x3FAE] =	sst s0  }
0x9: {  	[smem:$0x3FAF] =	sst s1  }
0xa: {  	[smem:$0x3FB0] =	sst s2  }
0xb: {  	[smem:$0x3FB1] =	sst s3  }
0xc: {  	[smem:$0x3FB2] =	sst s4  }
0xd: {  	[smem:$0x3FB3] =	sst s5  }
0xe: {  	[smem:$0x3FB4] =	sst s6  }
0xf: {  	[smem:$0x3FB5] =	sst s7  }
0x10: {  	[smem:$0x3FB6] =	sst s8  }
0x11: {  	[smem:$0x3FB7] =	sst s9;
	s0 =	simm.s32 @!p0 $0x0  }
0x12: {  	s1 =	sld [smem:$0x3F9D];
	s0 =	simm.s32 @p0 $0x1  }
0x13: {  	[smem:$0x3FB8] =	sst s0;
	s0 =	simm.s32 @!p1 $0x0  }
0x14: {  	s2 =	sld [smem:$0x3F9C];
	s0 =	simm.s32 @p1 $0x1  }
0x15: {  	[smem:$0x3FB9] =	sst s0;
	s0 =	simm.s32 @!p2 $0x0  }
0x16: {  	s3 =	sld [smem:$0x3FDB];
	s0 =	simm.s32 @p2 $0x1  }
0x17: {  	s4 =	simm.s32 $0x1BF5;
	[smem:$0x3FBB] =	sst s0  }
0x18: {  	s0 =	sld [smem:$0x3F9E];
	_ =	swait.ge [sflag:s4], $0x0  }
0x19: {  	s7 =	sld [smem:$0x3F9F]  }
0x1a: {  	s8 =	sadd.s32 $0xFFFFE003, lr  }
0x1b: {  	s9 =	sadd.s32 $0xFFFFFEF7, lr;
	s5 =	simm.s32 $0xFFFFFFFF;
	p2 =	slt.u32 s8, $0xFFFFF086  }
0x1c: {  	p1 =	slt.u32 s9, $0xF7A;
	s5 =	simm.s32 @!p2 $0x0  }
0x1d: {  	s5 =	simm.s32 @p1 $0x1;
	p0 =	seq.s32 s7, s2  }
0x1e: {  	s7 =	smul.u32 @!p0 $0xF7A, s2;
	p2 =	seq.s32 @!p0 s5, $0x0  }
0x1f: {  	s9 =	smul.u32 $0xF7A, s1;
	s8 =	simm.s32 @!p0 $0x1BF5;
	p2 =	por !p2, p0  }
0x20: {  	[sflag:s8] =	ssyncset.s32 @!p0 $0xFFFFF086;
	s6 =	sadd.s32 @!p0 s3, s7;
	s7 =	simm.s32 @!p0 $0x108  }
0x21: {  	s3 =	sadd.s32 s3, s9;
	s6 =	sadd.s32 @!p0 $0x88, s6;
	s7 =	simm.s32 @p2 $0x1082  }
0x22: {  	[simem:s7], [sflag:s8] =	dma.local @!p0 [hbm:s6], $0xF7A  }
0x23: {  	s9 =	sor.u32 $0xD0000000, s2;
	s6 =	simm.s32 $0x108;
	_ =	swait.ge @!p0 [sflag:s8], $0x0  }
0x24: {  	s3 =	sadd.s32 $0x88, s3;
	s6 =	simm.s32 @!p1 $0x1082;
	[sflag:s4] =	ssyncset.s32 $0xFFFFF086  }
0x25: {  	[simem:s6], [sflag:s4] =	dma.local [hbm:s3], $0xF7A  }
0x26: {  	[smem:$0x3F9F] =	sst s1;
	(tag) =	ssettag s2;
	_ =	strace s9  }
0x27: {  	s1 =	sld [smem:$0x3FAF]  }
0x28: {  	s2 =	sld [smem:$0x3FB0]  }
0x29: {  	s4 =	sld [smem:$0x3FB2]  }
0x2a: {  	p0 =	seq.s32 s5, $0x0;
	s5 =	sld [smem:$0x3FB3]  }
0x2b: {  	s6 =	sld [smem:$0x3FB4]  }
0x2c: {  	s7 =	sld [smem:$0x3FB5]  }
0x2d: {  	s3 =	simm.s32 $0x108;
	s8 =	sld [smem:$0x3FB6]  }
0x2e: {  	s3 =	simm.s32 @!p0 $0x1082;
	s9 =	sld [smem:$0x3FB7]  }
0x2f: {  	lr =	sadd.s32 s0, s3;
	s0 =	sld [smem:$0x3FAE]  }
0x30: {  	s3 =	sld [smem:$0x3FB1]  }
0x31: {  	[smem:$0x3FBA] =	sst s10  }
0x32: {  	s10 =	sld [smem:$0x3FB8];
	_ =	sdelay $0x3  }
0x33: {  	p0 =	seq.s32 s10, $0x1;
	s10 =	sld [smem:$0x3FBA];
	_ =	sdelay $0x3  }
0x34: {  	[smem:$0x3FBA] =	sst s10  }
0x35: {  	s10 =	sld [smem:$0x3FB9];
	_ =	sdelay $0x3  }
0x36: {  	p1 =	seq.s32 s10, $0x1;
	s10 =	sld [smem:$0x3FBA];
	_ =	sdelay $0x3  }
0x37: {  	[smem:$0x3FBA] =	sst s10  }
0x38: {  	s10 =	sld [smem:$0x3FBB]  }
0x39: {  	_ = 	snop;
	(pc) =	sbr.ind lr, $3  }
0x3a: {  	_ = 	snop  }
0x3b: {  	_ = 	snop  }
0x3c: {  	p2 =	seq.s32 s10, $0x1;
	s10 =	sld [smem:$0x3FBA]  }
0x3d: {  	_ =	shalt  }
0x3e: {  	_ =	shalt  }
0x3f: {  	_ =	shalt  }
0x40: {  	_ =	shalt  }
0x41: {  	_ =	shalt  }
0x42: {  	_ =	shalt  }
0x43: {  	_ =	shalt  }
0x44: {  	_ =	shalt  }
0x45: {  	_ =	shalt  }
0x46: {  	_ =	shalt  }
0x47: {  	_ =	shalt  }
0x48: {  	_ =	shalt  }
0x49: {  	_ =	shalt  }
0x4a: {  	_ =	shalt  }
0x4b: {  	_ =	shalt  }
0x4c: {  	_ =	shalt  }
0x4d: {  	_ =	shalt  }
0x4e: {  	_ =	shalt  }
0x4f: {  	_ =	shalt  }
0x50: {  	_ =	shalt  }
0x51: {  	_ =	shalt  }
0x52: {  	_ =	shalt  }
0x53: {  	_ =	shalt  }
0x54: {  	_ =	shalt  }
0x55: {  	_ =	shalt  }
0x56: {  	_ =	shalt  }
0x57: {  	_ =	shalt  }
0x58: {  	_ =	shalt  }
0x59: {  	_ =	shalt  }
0x5a: {  	_ =	shalt  }
0x5b: {  	_ =	shalt  }
0x5c: {  	_ =	shalt  }
0x5d: {  	_ =	shalt  }
0x5e: {  	_ =	shalt  }
0x5f: {  	_ =	shalt  }
0x60: {  	_ =	shalt  }
0x61: {  	_ =	shalt  }
0x62: {  	_ =	shalt  }
0x63: {  	_ =	shalt  }
0x64: {  	_ =	shalt  }
0x65: {  	_ =	shalt  }
0x66: {  	_ =	shalt  }
0x67: {  	_ =	shalt  }
0x68: {  	_ =	shalt  }
0x69: {  	_ =	shalt  }
0x6a: {  	_ =	shalt  }
0x6b: {  	_ =	shalt  }
0x6c: {  	_ =	shalt  }
0x6d: {  	_ =	shalt  }
0x6e: {  	_ =	shalt  }
0x6f: {  	_ =	shalt  }
0x70: {  	_ =	shalt  }
0x71: {  	_ =	shalt  }
0x72: {  	_ =	shalt  }
0x73: {  	_ =	shalt  }
0x74: {  	_ =	shalt  }
0x75: {  	_ =	shalt  }
0x76: {  	_ =	shalt  }
0x77: {  	_ =	shalt  }
0x78: {  	_ =	shalt  }
0x79: {  	_ =	shalt  }
0x7a: {  	_ =	shalt  }
0x7b: {  	_ =	shalt  }
0x7c: {  	_ =	shalt  }
0x7d: {  	_ =	shalt  }
0x7e: {  	_ =	shalt  }
0x7f: {  	_ =	shalt  }
0x80: {  	_ =	shalt  }
0x81: {  	_ =	shalt  }
0x82: {  	_ =	shalt  }
0x83: {  	_ =	shalt  }
0x84: {  	_ =	shalt  }
0x85: {  	_ =	shalt  }
0x86: {  	_ =	shalt  }
0x87: {  	_ =	shalt  }
.Lfunc_end0:
.L_simem_size_0:
called_computation_lowered:
.L_overlay_start_0:
0x88: {  	s2 =	sld [smem:$0x3FD9]  }
0x89: {  	s3 =	sld [smem:$0x3FFE];
	_ =	sdelay $0x1  }
0x8a: {  	s1 =	srdreg.scid  }
0x8b: {  	s0 =	sand.u32 $0x1, s1  }
0x8c: {  	s17 =	sshll.u32 s0, $0xA;
	s2 =	sadd.s32 s3, s2  }
0x8d: {  	s2 =	sadd.s32 s2, s17  }
0x8e: {  	[smem:$0x3FC6] =	sst s2  }
0x8f: {  	_ = 	snop  }
0x90: {  	s2 =	sld [smem:$0x3FD0];
	(tm) =	ssettm $0x1  }
0x91: {  	s18 =	sld [smem:$0x3FFB];
	_ =	sdelay $0x3  }
0x92: {  	_ =	strace s18  }
0x93: {  	s3 =	sld [smem:$0x3FFC];
	_ =	sdelay $0x3  }
0x94: {  	_ =	strace s3  }
0x95: {  	s3 =	sld [smem:$0x3FFD];
	_ =	sdelay $0x3  }
0x96: {  	_ =	strace s3  }
0x97: {  	_ =	strace $0x8FFFFFFF  }
0x98: {  	s19 =	sld [smem:$0x3FDB];
	_ =	sdelay $0x1  }
0x99: {  	s4 =	simm.s32 $_scs_section_size  }
0x9a: {  	s5 =	simm.s32 $_size__tile_overlayer_lowered;
	s6 =	simm.s32 $_tile_overlayer_lowered  }
0x9b: {  	s22 =	simm.s32 $0x1BFF;
	s21 =	sshll.u32 s6, $0x1;
	s3 =	sadd.s32 s4, s19  }
0x9c: {  	s7 =	simm.s32 $0x0;
	s20 =	sshll.u32 s5, $0x1;
	s5 =	sadd.s32 s21, s3  }
0x9d: {  	[timem:s7], [sflag:s22] =	dma.local [hbm:s5], s20  }
0x9e: {  	_ =	swait.ge [sflag:s22], s20  }
0x9f: {  	s4 =	ssub.s32 $0x0, s20;
	[sflag:s22] =	ssyncset.done $0x0  }
0xa0: {  	[sflag:s22] =	ssyncadd.s32 s4;
	_ =	sdelay $0x1  }
0xa1: {  	s23 =	simm.s32 $0x1B8B  }
0xa2: {  	_ =	swait.ge [sflag:s23], $0x1  }
0xa3: {  	[sflag:s23] =	ssyncset.done $0x0  }
0xa4: {  	s25 =	simm.s32 $0x1B8E;
	s24 =	sld [smem:$0x3FFE];
	[sflag:s23] =	ssyncadd.s32 $0xFFFFFFFF  }
0xa5: {  	s26 =	simm.s32 $execute0_lowered;
	[smem:$0x3FD2] =	sst s25  }
0xa6: {  	s5 =	sshll.u32 s26, $0x1;
	_ =	strace $0x80000046;
	[dreg:$0x1] =	wrdreg $0xFFFFFFFF  }
0xa7: {  	s28 =	simm.s32 $_size_execute0_lowered;
	s3 =	sadd.s32 s3, s5;
	[dreg:$0x0] =	wrdreg $0x0  }
0xa8: {  	s5 =	sshll.u32 s28, $0x1;
	[dreg:$0x2] =	wrdreg s3  }
0xa9: {  	[dreg:$0x3] =	wrdreg s5  }
0xaa: {  	[dreg:$0x4] =	wrdreg $0xC0  }
0xab: {  	_ =	task [dreg:s7], $0x5FFFF  }
0xac: {  	[dreg:$0x1] =	wrdreg $0xFFFFFFFF  }
0xad: {  	[dreg:$0x0] =	wrdreg $0x60  }
0xae: {  	[dreg:$0x2] =	wrdreg s24  }
0xaf: {  	[dreg:$0x3] =	wrdreg s2  }
0xb0: {  	[dreg:$0x4] =	wrdreg $0x9  }
0xb1: {  	_ =	task.clear_ibuf [dreg:s7], $0x5FFFF;
	_ =	strace $0x90000046  }
0xb2: {  	s29 =	simm.s32 $0x9;
	_ =	strace $0x80000048  }
0xb3: {  	_ =	swait.ge [sflag:s29], $0x1  }
0xb4: {  	[sflag:s29] =	ssyncadd.s32 $0xFFFFFFFF  }
0xb5: {  	_ =	strace $0x90000048  }
0xb6: {  	_ =	sfence  }
0xb7: {  	s30 =	sld [smem:$0x0];
	_ =	sdelay $0x2  }
0xb8: {  	s31 =	sshll.u32 s1, $0xD;
	s1 =	sshrl.u32 s1, $0x2  }
0xb9: {  	s3 =	sand.u32 $0x4000, s31;
	s1 =	sadd.s32 s1, s30  }
0xba: {  	s0 =	sor.u32 s3, s0;
	s1 =	sshll.u32 s1, $0x11  }
0xbb: {  	s0 =	sor.u32 s1, s0  }
0xbc: {  	s0 =	sadd.s32 $0x8F2B, s0  }
0xbd: {  	[sflag:s0] =	ssyncadd.remote.s32 $0x1  }
0xbe: {  	_ =	sfence.sel $0xFFFF  }
0xbf: {  	[dreg:$0x0] =	wrdreg $0xFFFFFFFF;
	(pc) =	sbr.abs _section_cstart, $3  }
0xc0: {  	[dreg:$0x1] =	wrdreg $0xFFFFFFFF  }
0xc1: {  	_ =	task.clear_ibuf [dreg:s7], $0x2FFFF;
	_ =	strace $0x9FFFFFFF  }
0xc2: {  	(tm) =	ssettm $0x7FFFFFFF  }
0xc3: {  	_ =	shalt  }
tec
execute0_lowered:
.L_overlay_start_1:
0x0: {  	(tag) =	ssettag $0x1  }
0x1: {  	s1 =	srdreg.scid  }
0x2: {  	s7 =	rddreg [dreg:$0x0];
	s0 =	stileid.u32;
	s12 =	sand.u32 $0x1, s1  }
0x3: {  	s13 =	rddreg [dreg:$0x1];
	s3 =	sshll.u32 s0, $0xA;
	s4 =	sshll.u32 s12, $0x9  }
0x4: {  	s2 =	simm.s32 $0x0;
	s1 =	rddreg [dreg:$0x2];
	s11 =	sor.u32 s4, s3  }
0x5: {  	[smem:$0x7FF] =	sst s2;
	s5 =	sadd.s32 $0x8400, s7;
	s3 =	sshrl.u32 s11, $0x3  }
0x6: {  	_ =	strace $0x80000047;
	s4 =	sadd.s32 s5, s3;
	s3 =	simm.s32 $0x3  }
0x7: {  	[tilespmem:s2], [sflag:$0x3] =	stream.linear.gather [hbm4b:s4+s2], $0x100, $0x38;
	[tilespmem:$0x4200] =	vst v63  }
0x8: {  	s14 =	sor.u32 $0x100, s11;
	_ =	swait.ge [sflag:s3], $0x100  }
0x9: {  	s6 =	sshrl.u32 s14, $0x3;
	[sflag:s3] =	ssyncset.done $0x0  }
0xa: {  	s5 =	sadd.s32 s5, s6;
	s6 =	simm.s32 $0x100;
	[sflag:s3] =	ssyncadd.s32 $0xFFFFFF00  }
0xb: {  	[tilespmem:s6], [sflag:$0x3] =	stream.linear.gather [hbm4b:s5+s2], $0x100, $0x38;
	[tilespmem:$0x4200] =	vst v63  }
0xc: {  	_ =	swait.ge [sflag:s3], $0x100  }
0xd: {  	[sflag:s3] =	ssyncset.done $0x0  }
0xe: {  	s8 =	simm.s32 $0x200;
	s7 =	sadd.s32 $0x400, s7;
	[sflag:s3] =	ssyncadd.s32 $0xFFFFFF00  }
0xf: {  	[tilespmem:s8], [sflag:$0x1] =	stream.indirect.gather [hbm4b:s7+s6], $0x20, s2, s6, $0xb8;
	[tilespmem:$0x4200] =	vst v63  }
0x10: {  	s9 =	simm.s32 $0x2200;
	s10 =	simm.s32 $0x1  }
0x11: {  	[tilespmem:s9], [sflag:$0x2] =	stream.indirect.gather [hbm4b:s7+s6], $0x20, s6, s6, $0xb8;
	[tilespmem:$0x4200] =	vst v63  }
0x12: {  	_ =	swait.ge [sflag:s10], $0x2000  }
0x13: {  	s11 =	sshll.u32 s11, $0x2;
	[sflag:s10] =	ssyncset.done $0x0  }
0x14: {  	s15 =	ssub.s32 $0x2, s12;
	s11 =	sadd.s32 s13, s11;
	[sflag:s10] =	ssyncadd.s32 $0xFFFFE000  }
0x15: {  	[hbm4b:s11+s2] =	stream.linear.scatter [tilespmem:s8], [sflag:$0x3], $0x2000, $0x38;
	[tilespmem:$0x4200] =	vst v63  }
0x16: {  	s16 =	sshrl.u32 s15, $0x1;
	_ =	swait.ge [sflag:s3], $0x2000  }
0x17: {  	s15 =	ssub.s32 s15, s16;
	[sflag:s3] =	ssyncset.done $0x0  }
0x18: {  	s12 =	simm.s32 $0x2;
	s31 =	smax.u32 s15, $0x1;
	[sflag:s3] =	ssyncadd.s32 $0xFFFFE000  }
0x19: {  	p0 =	sne.s32 s31, $0x1;
	_ =	swait.ge [sflag:s12], $0x2000  }
.Ltmp0:
0x1a: {  	s14 =	sshll.u32 s14, $0x2;
	[sflag:s12] =	ssyncset.done $0x0;
	(pc) =	sbr.rel @!p0 .LBB2_2-.Ltmp0, $4  }
0x1b: {  	s13 =	sadd.s32 s13, s14;
	[sflag:s12] =	ssyncadd.s32 $0xFFFFE000  }
0x1c: {  	[hbm4b:s13+s2] =	stream.linear.scatter [tilespmem:s9], [sflag:$0x3], $0x2000, $0x38;
	[tilespmem:$0x4200] =	vst v63  }
0x1d: {  	_ =	swait.ge [sflag:s3], $0x2000  }
0x1e: {  	s14 =	sadd.s32 $0xFFFFFFFF, s31;
	[sflag:s3] =	ssyncset.done $0x0  }
.LBB2_1:
0x1f: {  	p0 =	sne.s32 s14, $0x1;
	s14 =	sadd.s32 $0xFFFFFFFF, s14;
	[sflag:s3] =	ssyncadd.s32 $0xFFFFE000  }
0x20: {  	[tilespmem:s2], [sflag:$0x3] =	stream.linear.gather [hbm4b:s4+s2], $0x100, $0x38;
	[tilespmem:$0x4200] =	vst v63  }
0x21: {  	_ =	swait.ge [sflag:s3], $0x100  }
0x22: {  	[sflag:s3] =	ssyncset.done $0x0  }
0x23: {  	[sflag:s3] =	ssyncadd.s32 $0xFFFFFF00  }
0x24: {  	[tilespmem:s6], [sflag:$0x3] =	stream.linear.gather [hbm4b:s5+s2], $0x100, $0x38;
	[tilespmem:$0x4200] =	vst v63  }
0x25: {  	_ =	swait.ge [sflag:s3], $0x100  }
0x26: {  	[sflag:s3] =	ssyncset.done $0x0  }
0x27: {  	[sflag:s3] =	ssyncadd.s32 $0xFFFFFF00  }
0x28: {  	[tilespmem:s8], [sflag:$0x1] =	stream.indirect.gather [hbm4b:s7+s6], $0x20, s2, s6, $0xb8;
	[tilespmem:$0x4200] =	vst v63  }
0x29: {  	_ = 	snop  }
0x2a: {  	[tilespmem:s9], [sflag:$0x2] =	stream.indirect.gather [hbm4b:s7+s6], $0x20, s6, s6, $0xb8;
	[tilespmem:$0x4200] =	vst v63  }
0x2b: {  	_ =	swait.ge [sflag:s10], $0x2000  }
0x2c: {  	[sflag:s10] =	ssyncset.done $0x0  }
0x2d: {  	[sflag:s10] =	ssyncadd.s32 $0xFFFFE000  }
0x2e: {  	[hbm4b:s11+s2] =	stream.linear.scatter [tilespmem:s8], [sflag:$0x3], $0x2000, $0x38;
	[tilespmem:$0x4200] =	vst v63  }
0x2f: {  	_ =	swait.ge [sflag:s3], $0x2000  }
0x30: {  	[sflag:s3] =	ssyncset.done $0x0  }
0x31: {  	[sflag:s3] =	ssyncadd.s32 $0xFFFFE000  }
0x32: {  	_ =	swait.ge [sflag:s12], $0x2000  }
.Ltmp1:
0x33: {  	[sflag:s12] =	ssyncset.done $0x0;
	(pc) =	sbr.rel @p0 .LBB2_1-.Ltmp1, $4  }
0x34: {  	[sflag:s12] =	ssyncadd.s32 $0xFFFFE000  }
0x35: {  	[hbm4b:s13+s2] =	stream.linear.scatter [tilespmem:s9], [sflag:$0x3], $0x2000, $0x38;
	[tilespmem:$0x4200] =	vst v63  }
0x36: {  	_ =	swait.ge [sflag:s3], $0x2000  }
0x37: {  	[sflag:s3] =	ssyncset.done $0x0  }
.LBB2_2:
0x38: {  	[sflag:s3] =	ssyncadd.s32 $0xFFFFE000  }
0x39: {  	_ =	sfence.sel $0x180000  }
0x3a: {  	[bflag:$0x0] =	sbarrier.arrive $0xFFFF  }
0x3b: {  	p0 =	sne.s32 s0, $0x0;
	_ =	strace $0x90000047  }
0x3c: {  	s0 =	sadd.s32 @!p0 $0x100000, s1;
	[bflag:$0x2] =	sbarrier.arrive $0xFFFF  }
0x3d: {  	[sflag:s0] =	ssyncadd.tile.s32 @!p0 $0x1;
	_ =	shalt  }
.Lfunc_end2:
_tile_overlayer_lowered:
.L_overlay_start_2:
0x3e: {  	(tag) =	ssettag $0x2  }
0x3f: {  	s0 =	rddreg [dreg:$0x0];
	s2 =	stileid.u32  }
0x40: {  	s1 =	rddreg [dreg:$0x1];
	p0 =	sne.s32 s2, $0x0  }
0x41: {  	s3 =	rddreg [dreg:$0x2];
	[bflag:$0x3] =	sbarrier.arrive $0xFFFF;
	s2 =	simm.s32 @!p0 $0x1C03  }
0x42: {  	[timem:s3], [sflag:s2] =	dma.local @!p0 [hbm:s0], s1  }
0x43: {  	s0 =	simm.s32 @!p0 $0x3  }
0x44: {  	_ =	swait.ge @!p0 [sflag:s0], s1  }
0x45: {  	s1 =	ssub.s32 @!p0 $0x0, s1;
	[sflag:s0] =	ssyncset.done @!p0 $0x0  }
0x46: {  	[sflag:s0] =	ssyncadd.s32 @!p0 s1  }
0x47: {  	[bflag:$0x3] =	sbarrier.arrive $0xFFFF  }
0x48: {  	_ =	shalt  }

</sc_bundles>
